<compile_context>
chip_gen: v7x
topology: tpu7x:2x2x1
jax: 0.10.2.dev20260603
libtpu: 0.0.44.dev20260713+nightly
codegen_flags: <defaults>
</compile_context>

<pallas_src>
import jax
import jax.numpy as jnp
from jax import lax
from jax.experimental import pallas as pl
from jax.experimental.pallas import tpu as pltpu
from jax.experimental.pallas import tpu_sc as plsc

N_SEG = 10000
D = 128
N_ROWS = 320000
CHUNK = 128
NC, NS = 2, 16
NW = NC * NS
TOTAL_CHUNKS = N_ROWS // CHUNK
BASE = TOTAL_CHUNKS // NW
EXTRA = TOTAL_CHUNKS - BASE * NW
N_SEG_PAD = 10112
SEG_PER_TILE = N_SEG_PAD // NS


def _sc_body(x_hbm, idx_hbm, zeros_hbm, out_hbm,
             rows0, rows1, rows2, idx0, idx1, idx2, acc, sem0, sem1, sem2):
    c = lax.axis_index("c")
    s = lax.axis_index("s")
    wid = c * NS + s

    start = wid * BASE
    bufs = ((rows0, idx0, sem0), (rows1, idx1, sem1), (rows2, idx2, sem2))

    def fire(j, b):
        rows, idx, sem = bufs[b]
        pltpu.async_copy(x_hbm.at[pl.ds((start + j) * CHUNK, CHUNK), :], rows, sem)
        pltpu.async_copy(idx_hbm.at[pl.ds((start + j) * CHUNK, CHUNK)], idx, sem)

    def drain_and_scatter(b):
        rows, idx, sem = bufs[b]
        pltpu.make_async_copy(x_hbm.at[pl.ds(0, CHUNK), :], rows, sem).wait()
        pltpu.make_async_copy(idx_hbm.at[pl.ds(0, CHUNK)], idx, sem).wait()
        pltpu.sync_copy(rows, acc.at[idx], add=True)

    fire(0, 0)
    fire(1, 1)

    pltpu.sync_copy(zeros_hbm.at[pl.ds(s * SEG_PER_TILE, SEG_PER_TILE), :],
                    acc.at[pl.ds(s * SEG_PER_TILE, SEG_PER_TILE), :])
    plsc.subcore_barrier()

    def body(j, carry):
        for b in range(3):
            parity = jnp.equal(lax.rem(j, 3), b)

            @pl.when(parity & (j + 2 < BASE))
            def _():
                fire(j + 2, (b + 2) % 3)

            @pl.when(parity)
            def _():
                drain_and_scatter(b)
        return carry

    lax.fori_loop(0, BASE, body, 0)

    @pl.when(wid < EXTRA)
    def _():
        j = NW * BASE + wid
        pltpu.sync_copy(x_hbm.at[pl.ds(j * CHUNK, CHUNK), :], rows0)
        pltpu.sync_copy(idx_hbm.at[pl.ds(j * CHUNK, CHUNK)], idx0)
        pltpu.sync_copy(rows0, acc.at[idx0], add=True)

    plsc.subcore_barrier()

    pltpu.sync_copy(acc.at[pl.ds(s * SEG_PER_TILE, SEG_PER_TILE), :],
                    out_hbm.at[c, pl.ds(s * SEG_PER_TILE, SEG_PER_TILE), :])


def _tc_add(p_ref, o_ref):
    o_ref[...] = p_ref[0] + p_ref[1]


def kernel(x, index):
    idx32 = index.astype(jnp.int32)
    zeros = jnp.zeros((N_SEG_PAD, D), dtype=jnp.float32)

    mesh = plsc.VectorSubcoreMesh(core_axis_name="c", subcore_axis_name="s")
    partials = pl.kernel(
        _sc_body,
        out_type=jax.ShapeDtypeStruct((NC, N_SEG_PAD, D), jnp.float32),
        mesh=mesh,
        scratch_types=[
            pltpu.VMEM((CHUNK, D), jnp.float32),
            pltpu.VMEM((CHUNK, D), jnp.float32),
            pltpu.VMEM((CHUNK, D), jnp.float32),
            pltpu.VMEM((CHUNK,), jnp.int32),
            pltpu.VMEM((CHUNK,), jnp.int32),
            pltpu.VMEM((CHUNK,), jnp.int32),
            pltpu.VMEM_SHARED((N_SEG_PAD, D), jnp.float32),
            pltpu.SemaphoreType.DMA,
            pltpu.SemaphoreType.DMA,
            pltpu.SemaphoreType.DMA,
        ],
    )(x, idx32, zeros)

    blk = 2000
    out = pl.pallas_call(
        _tc_add,
        grid=(N_SEG // blk,),
        in_specs=[pl.BlockSpec((NC, blk, D), lambda i: (0, i, 0))],
        out_specs=pl.BlockSpec((blk, D), lambda i: (i, 0)),
        out_shape=jax.ShapeDtypeStruct((N_SEG, D), jnp.float32),
    )(partials)
    return out

# --- scband reference (transcript-rebuilt; emitter-appended) ---
"""Pipeline reference for scband-sum-pooling-8950711845800 (READ-ONLY COPY).

The authoritative reference and input builder live on the scoring server;
editing this copy changes nothing except your own understanding.
"""

import jax, jax.numpy as jnp
import numpy as np

N_SEGMENTS = 10000

def setup_inputs(seed: int = 0) -> dict:
    key = jax.random.key(seed)
    k1, k2 = jax.random.split(key)
    x = jax.random.normal(k1, (320000, 128), dtype=jnp.float32)
    index = jnp.sort(jax.random.randint(k2, (320000,), 0, N_SEGMENTS, dtype=jnp.int64))
    return {"x": x, "index": index}

def reference(x, index):
    # SumPooling: scatter_add(x, index, dim=0)
    return jax.ops.segment_sum(x, index, num_segments=N_SEGMENTS)

if __name__ == "__main__":
    import jax
    _d = setup_inputs()
    print(jax.jit(kernel)(*tuple(_d.values())))

</pallas_src>

<mosaic_0001>
#map = affine_map<(d0, d1) -> (0, 0)>
#map1 = affine_map<(d0, d1) -> (0)>
#map2 = affine_map<(d0, d1) -> (0, 0, 0)>
module attributes {stable_mosaic.version = 14 : i64} {
  func.func @_sc_body(%arg0: i32, %arg1: i32, %arg2: memref<320000x128xf32, #tpu.memory_space<hbm>>, %arg3: memref<320000xi32, #tpu.memory_space<hbm>>, %arg4: memref<10112x128xf32, #tpu.memory_space<hbm>>, %arg5: memref<2x10112x128xf32, #tpu.memory_space<hbm>>, %arg6: memref<128x128xf32, #tpu.memory_space<vmem>>, %arg7: memref<128x128xf32, #tpu.memory_space<vmem>>, %arg8: memref<128x128xf32, #tpu.memory_space<vmem>>, %arg9: memref<128xi32, #tpu.memory_space<vmem>>, %arg10: memref<128xi32, #tpu.memory_space<vmem>>, %arg11: memref<128xi32, #tpu.memory_space<vmem>>, %arg12: memref<10112x128xf32, #tpu.memory_space<vmem_shared>>, %arg13: memref<!tpu.dma_semaphore, #tpu.memory_space<semaphore_mem>>, %arg14: memref<!tpu.dma_semaphore, #tpu.memory_space<semaphore_mem>>, %arg15: memref<!tpu.dma_semaphore, #tpu.memory_space<semaphore_mem>>) attributes {dimension_semantics = [#tpu.dimension_semantics<core_parallel>, #tpu.dimension_semantics<subcore_parallel>], iteration_bounds = array<i64: 2, 16>, scalar_prefetch = 0 : i64, scratch_operands = 10 : i64, tpu.core_type = #tpu.core_type<sc_vector_subcore>, window_params = [{transform_indices = #map}, {transform_indices = #map1}, {transform_indices = #map}, {transform_indices = #map2}]} {
    %mul3A = arith.constant 16 : i32
    %mul3A_0 = arith.muli %arg0, %mul3A : i32
    %add3A = arith.addi %mul3A_0, %arg1 : i32
    %mul3A_1 = arith.constant 78 : i32
    %mul3A_2 = arith.muli %add3A, %mul3A_1 : i32
    %add3A_3 = arith.constant 0 : i32
    %add3A_4 = arith.addi %mul3A_2, %add3A_3 : i32
    %mul3A_5 = arith.constant 128 : i32
    %mul3A_6 = arith.muli %add3A_4, %mul3A_5 : i32
    %dma_start3A = arith.constant 0 : i32
    %dma_start3A_7 = tpu.memref_slice %arg2[%mul3A_6, %dma_start3A] : memref<320000x128xf32, #tpu.memory_space<hbm>> -> memref<128x128xf32, #tpu.memory_space<hbm>>
    %dma_start3A_8 = arith.constant 0 : i32
    %dma_start3A_9 = tpu.memref_slice %arg2[%mul3A_6, %dma_start3A_8] : memref<320000x128xf32, #tpu.memory_space<hbm>> -> memref<128x128xf32, #tpu.memory_space<hbm>>
    tpu.enqueue_dma source(%dma_start3A_9 : memref<128x128xf32, #tpu.memory_space<hbm>>) target(%arg6 : memref<128x128xf32, #tpu.memory_space<vmem>>) target_semaphore(%arg13 : memref<!tpu.dma_semaphore, #tpu.memory_space<semaphore_mem>>)
    %add3A_10 = arith.constant 0 : i32
    %add3A_11 = arith.addi %mul3A_2, %add3A_10 : i32
    %mul3A_12 = arith.constant 128 : i32
    %mul3A_13 = arith.muli %add3A_11, %mul3A_12 : i32
    %dma_start3A_14 = tpu.memref_slice %arg3[%mul3A_13] : memref<320000xi32, #tpu.memory_space<hbm>> -> memref<128xi32, #tpu.memory_space<hbm>>
    %dma_start3A_15 = tpu.memref_slice %arg3[%mul3A_13] : memref<320000xi32, #tpu.memory_space<hbm>> -> memref<128xi32, #tpu.memory_space<hbm>>
    tpu.enqueue_dma source(%dma_start3A_15 : memref<128xi32, #tpu.memory_space<hbm>>) target(%arg9 : memref<128xi32, #tpu.memory_space<vmem>>) target_semaphore(%arg13 : memref<!tpu.dma_semaphore, #tpu.memory_space<semaphore_mem>>)
    %add3A_16 = arith.constant 1 : i32
    %add3A_17 = arith.addi %mul3A_2, %add3A_16 : i32
    %mul3A_18 = arith.constant 128 : i32
    %mul3A_19 = arith.muli %add3A_17, %mul3A_18 : i32
    %dma_start3A_20 = arith.constant 0 : i32
    %dma_start3A_21 = tpu.memref_slice %arg2[%mul3A_19, %dma_start3A_20] : memref<320000x128xf32, #tpu.memory_space<hbm>> -> memref<128x128xf32, #tpu.memory_space<hbm>>
    %dma_start3A_22 = arith.constant 0 : i32
    %dma_start3A_23 = tpu.memref_slice %arg2[%mul3A_19, %dma_start3A_22] : memref<320000x128xf32, #tpu.memory_space<hbm>> -> memref<128x128xf32, #tpu.memory_space<hbm>>
    tpu.enqueue_dma source(%dma_start3A_23 : memref<128x128xf32, #tpu.memory_space<hbm>>) target(%arg7 : memref<128x128xf32, #tpu.memory_space<vmem>>) target_semaphore(%arg14 : memref<!tpu.dma_semaphore, #tpu.memory_space<semaphore_mem>>)
    %add3A_24 = arith.constant 1 : i32
    %add3A_25 = arith.addi %mul3A_2, %add3A_24 : i32
    %mul3A_26 = arith.constant 128 : i32
    %mul3A_27 = arith.muli %add3A_25, %mul3A_26 : i32
    %dma_start3A_28 = tpu.memref_slice %arg3[%mul3A_27] : memref<320000xi32, #tpu.memory_space<hbm>> -> memref<128xi32, #tpu.memory_space<hbm>>
    %dma_start3A_29 = tpu.memref_slice %arg3[%mul3A_27] : memref<320000xi32, #tpu.memory_space<hbm>> -> memref<128xi32, #tpu.memory_space<hbm>>
    tpu.enqueue_dma source(%dma_start3A_29 : memref<128xi32, #tpu.memory_space<hbm>>) target(%arg10 : memref<128xi32, #tpu.memory_space<vmem>>) target_semaphore(%arg14 : memref<!tpu.dma_semaphore, #tpu.memory_space<semaphore_mem>>)
    %mul3A_30 = arith.constant 632 : i32
    %mul3A_31 = arith.muli %arg1, %mul3A_30 : i32
    %mul3A_32 = arith.constant 632 : i32
    %mul3A_33 = arith.muli %arg1, %mul3A_32 : i32
    "tpu.region"() ({
      %run_scoped3A = tpu.sem_alloc : memref<!tpu.dma_semaphore, #tpu.memory_space<semaphore_mem>>
      %dma_start3A_46 = arith.constant 0 : i32
      %dma_start3A_47 = tpu.memref_slice %arg12[%mul3A_33, %dma_start3A_46] : memref<10112x128xf32, #tpu.memory_space<vmem_shared>> -> memref<632x128xf32, #tpu.memory_space<vmem_shared>>
      %dma_start3A_48 = arith.constant 0 : i32
      %dma_start3A_49 = tpu.memref_slice %arg4[%mul3A_31, %dma_start3A_48] : memref<10112x128xf32, #tpu.memory_space<hbm>> -> memref<632x128xf32, #tpu.memory_space<hbm>>
      tpu.enqueue_dma source(%dma_start3A_49 : memref<632x128xf32, #tpu.memory_space<hbm>>) target(%dma_start3A_47 : memref<632x128xf32, #tpu.memory_space<vmem_shared>>) target_semaphore(%run_scoped3A : memref<!tpu.dma_semaphore, #tpu.memory_space<semaphore_mem>>)
      %dma_wait3A = arith.constant 0 : i32
      %dma_wait3A_50 = tpu.memref_slice %arg12[%mul3A_33, %dma_wait3A] : memref<10112x128xf32, #tpu.memory_space<vmem_shared>> -> memref<632x128xf32, #tpu.memory_space<vmem_shared>>
      %dma_wait3A_51 = arith.constant 0 : i32
      %dma_wait3A_52 = tpu.memref_slice %arg4[%mul3A_31, %dma_wait3A_51] : memref<10112x128xf32, #tpu.memory_space<hbm>> -> memref<632x128xf32, #tpu.memory_space<hbm>>
      tpu.wait_dma2 semaphore(%run_scoped3A : memref<!tpu.dma_semaphore, #tpu.memory_space<semaphore_mem>>) src(%dma_wait3A_52 : memref<632x128xf32, #tpu.memory_space<hbm>>) dst(%dma_wait3A_50 : memref<632x128xf32, #tpu.memory_space<vmem_shared>>)
      tpu.yield
    }) : () -> ()
    %barrier3A = arith.constant 0 : index
    tpu.barrier barrier_id(%barrier3A)
    %scan3A = arith.constant 0 : i32
    %scan3A_34 = arith.constant 0 : i32
    %scan3A_35 = arith.constant 78 : i32
    %scan3A_36 = arith.addi %scan3A_34, %scan3A_35 : i32
    %scan3A_37 = arith.constant 1 : i32
    scf.for %scan3A_46 = %scan3A_34 to %scan3A_36 step %scan3A_37  : i32 {
      %rem3A = arith.constant 3 : i32
      %rem3A_47 = arith.remsi %scan3A_46, %rem3A : i32
      %eq3A = arith.constant 0 : i32
      %eq3A_48 = arith.cmpi eq, %rem3A_47, %eq3A : i32
      %add3A_49 = arith.constant 2 : i32
      %add3A_50 = arith.addi %scan3A_46, %add3A_49 : i32
      %lt3A_51 = arith.constant 78 : i32
      %lt3A_52 = arith.cmpi slt, %add3A_50, %lt3A_51 : i32
      %and3A = arith.andi %eq3A_48, %lt3A_52 : i1
      %convert_element_type3A_53 = arith.extui %and3A : i1 to i32
      %cond3A_54 = arith.constant 0 : i32
      %cond3A_55 = arith.cmpi ne, %convert_element_type3A_53, %cond3A_54 : i32
      scf.if %cond3A_55 {
        %add3A_89 = arith.constant 2 : i32
        %add3A_90 = arith.addi %scan3A_46, %add3A_89 : i32
        %add3A_91 = arith.addi %mul3A_2, %add3A_90 : i32
        %mul3A_92 = arith.constant 128 : i32
        %mul3A_93 = arith.muli %add3A_91, %mul3A_92 : i32
        %dma_start3A_94 = arith.constant 0 : i32
        %dma_start3A_95 = tpu.memref_slice %arg2[%mul3A_93, %dma_start3A_94] : memref<320000x128xf32, #tpu.memory_space<hbm>> -> memref<128x128xf32, #tpu.memory_space<hbm>>
        %dma_start3A_96 = arith.constant 0 : i32
        %dma_start3A_97 = tpu.memref_slice %arg2[%mul3A_93, %dma_start3A_96] : memref<320000x128xf32, #tpu.memory_space<hbm>> -> memref<128x128xf32, #tpu.memory_space<hbm>>
        tpu.enqueue_dma source(%dma_start3A_97 : memref<128x128xf32, #tpu.memory_space<hbm>>) target(%arg8 : memref<128x128xf32, #tpu.memory_space<vmem>>) target_semaphore(%arg15 : memref<!tpu.dma_semaphore, #tpu.memory_space<semaphore_mem>>)
        %add3A_98 = arith.addi %mul3A_2, %add3A_90 : i32
        %mul3A_99 = arith.constant 128 : i32
        %mul3A_100 = arith.muli %add3A_98, %mul3A_99 : i32
        %dma_start3A_101 = tpu.memref_slice %arg3[%mul3A_100] : memref<320000xi32, #tpu.memory_space<hbm>> -> memref<128xi32, #tpu.memory_space<hbm>>
        %dma_start3A_102 = tpu.memref_slice %arg3[%mul3A_100] : memref<320000xi32, #tpu.memory_space<hbm>> -> memref<128xi32, #tpu.memory_space<hbm>>
        tpu.enqueue_dma source(%dma_start3A_102 : memref<128xi32, #tpu.memory_space<hbm>>) target(%arg11 : memref<128xi32, #tpu.memory_space<vmem>>) target_semaphore(%arg15 : memref<!tpu.dma_semaphore, #tpu.memory_space<semaphore_mem>>)
      } else {
      }
      %convert_element_type3A_56 = arith.extui %eq3A_48 : i1 to i32
      %cond3A_57 = arith.constant 0 : i32
      %cond3A_58 = arith.cmpi ne, %convert_element_type3A_56, %cond3A_57 : i32
      scf.if %cond3A_58 {
        %dma_wait3A = arith.constant 0 : i32
        %dma_wait3A_89 = arith.constant 0 : i32
        %dma_wait3A_90 = tpu.memref_slice %arg2[%dma_wait3A, %dma_wait3A_89] : memref<320000x128xf32, #tpu.memory_space<hbm>> -> memref<128x128xf32, #tpu.memory_space<hbm>>
        %dma_wait3A_91 = arith.constant 0 : i32
        %dma_wait3A_92 = arith.constant 0 : i32
        %dma_wait3A_93 = tpu.memref_slice %arg2[%dma_wait3A_91, %dma_wait3A_92] : memref<320000x128xf32, #tpu.memory_space<hbm>> -> memref<128x128xf32, #tpu.memory_space<hbm>>
        tpu.wait_dma2 semaphore(%arg13 : memref<!tpu.dma_semaphore, #tpu.memory_space<semaphore_mem>>) src(%dma_wait3A_93 : memref<128x128xf32, #tpu.memory_space<hbm>>) dst(%arg6 : memref<128x128xf32, #tpu.memory_space<vmem>>)
        %dma_wait3A_94 = arith.constant 0 : i32
        %dma_wait3A_95 = tpu.memref_slice %arg3[%dma_wait3A_94] : memref<320000xi32, #tpu.memory_space<hbm>> -> memref<128xi32, #tpu.memory_space<hbm>>
        %dma_wait3A_96 = arith.constant 0 : i32
        %dma_wait3A_97 = tpu.memref_slice %arg3[%dma_wait3A_96] : memref<320000xi32, #tpu.memory_space<hbm>> -> memref<128xi32, #tpu.memory_space<hbm>>
        tpu.wait_dma2 semaphore(%arg13 : memref<!tpu.dma_semaphore, #tpu.memory_space<semaphore_mem>>) src(%dma_wait3A_97 : memref<128xi32, #tpu.memory_space<hbm>>) dst(%arg9 : memref<128xi32, #tpu.memory_space<vmem>>)
        "tpu.region"() ({
          %run_scoped3A = tpu.sem_alloc : memref<!tpu.dma_semaphore, #tpu.memory_space<semaphore_mem>>
          %dma_start3A_98 = arith.constant 0 : i32
          %dma_start3A_99 = arith.constant 0 : i32
          %dma_start3A_100 = tpu.memref_slice %arg12[%dma_start3A_98, %dma_start3A_99] : memref<10112x128xf32, #tpu.memory_space<vmem_shared>> -> memref<10112x128xf32, #tpu.memory_space<vmem_shared>>
          tpu.enqueue_indirect_dma source(%arg6 : memref<128x128xf32, #tpu.memory_space<vmem>>) target(%dma_start3A_100 : memref<10112x128xf32, #tpu.memory_space<vmem_shared>>) offsets(%arg9 : memref<128xi32, #tpu.memory_space<vmem>>) semaphore(%run_scoped3A : memref<!tpu.dma_semaphore, #tpu.memory_space<semaphore_mem>>) {add = true}
          %dma_wait3A_101 = arith.constant 0 : i32
          %dma_wait3A_102 = arith.constant 0 : i32
          %dma_wait3A_103 = tpu.memref_slice %arg12[%dma_wait3A_101, %dma_wait3A_102] : memref<10112x128xf32, #tpu.memory_space<vmem_shared>> -> memref<10112x128xf32, #tpu.memory_space<vmem_shared>>
          tpu.wait_indirect_dma semaphore(%run_scoped3A : memref<!tpu.dma_semaphore, #tpu.memory_space<semaphore_mem>>) src(%arg6 : memref<128x128xf32, #tpu.memory_space<vmem>>) dst(%dma_wait3A_103 : memref<10112x128xf32, #tpu.memory_space<vmem_shared>>)
          tpu.yield
        }) : () -> ()
      } else {
      }
      %rem3A_59 = arith.constant 3 : i32
      %rem3A_60 = arith.remsi %scan3A_46, %rem3A_59 : i32
      %eq3A_61 = arith.constant 1 : i32
      %eq3A_62 = arith.cmpi eq, %rem3A_60, %eq3A_61 : i32
      %add3A_63 = arith.constant 2 : i32
      %add3A_64 = arith.addi %scan3A_46, %add3A_63 : i32
      %lt3A_65 = arith.constant 78 : i32
      %lt3A_66 = arith.cmpi slt, %add3A_64, %lt3A_65 : i32
      %and3A_67 = arith.andi %eq3A_62, %lt3A_66 : i1
      %convert_element_type3A_68 = arith.extui %and3A_67 : i1 to i32
      %cond3A_69 = arith.constant 0 : i32
      %cond3A_70 = arith.cmpi ne, %convert_element_type3A_68, %cond3A_69 : i32
      scf.if %cond3A_70 {
        %add3A_89 = arith.constant 2 : i32
        %add3A_90 = arith.addi %scan3A_46, %add3A_89 : i32
        %add3A_91 = arith.addi %mul3A_2, %add3A_90 : i32
        %mul3A_92 = arith.constant 128 : i32
        %mul3A_93 = arith.muli %add3A_91, %mul3A_92 : i32
        %dma_start3A_94 = arith.constant 0 : i32
        %dma_start3A_95 = tpu.memref_slice %arg2[%mul3A_93, %dma_start3A_94] : memref<320000x128xf32, #tpu.memory_space<hbm>> -> memref<128x128xf32, #tpu.memory_space<hbm>>
        %dma_start3A_96 = arith.constant 0 : i32
        %dma_start3A_97 = tpu.memref_slice %arg2[%mul3A_93, %dma_start3A_96] : memref<320000x128xf32, #tpu.memory_space<hbm>> -> memref<128x128xf32, #tpu.memory_space<hbm>>
        tpu.enqueue_dma source(%dma_start3A_97 : memref<128x128xf32, #tpu.memory_space<hbm>>) target(%arg6 : memref<128x128xf32, #tpu.memory_space<vmem>>) target_semaphore(%arg13 : memref<!tpu.dma_semaphore, #tpu.memory_space<semaphore_mem>>)
        %add3A_98 = arith.addi %mul3A_2, %add3A_90 : i32
        %mul3A_99 = arith.constant 128 : i32
        %mul3A_100 = arith.muli %add3A_98, %mul3A_99 : i32
        %dma_start3A_101 = tpu.memref_slice %arg3[%mul3A_100] : memref<320000xi32, #tpu.memory_space<hbm>> -> memref<128xi32, #tpu.memory_space<hbm>>
        %dma_start3A_102 = tpu.memref_slice %arg3[%mul3A_100] : memref<320000xi32, #tpu.memory_space<hbm>> -> memref<128xi32, #tpu.memory_space<hbm>>
        tpu.enqueue_dma source(%dma_start3A_102 : memref<128xi32, #tpu.memory_space<hbm>>) target(%arg9 : memref<128xi32, #tpu.memory_space<vmem>>) target_semaphore(%arg13 : memref<!tpu.dma_semaphore, #tpu.memory_space<semaphore_mem>>)
      } else {
      }
      %convert_element_type3A_71 = arith.extui %eq3A_62 : i1 to i32
      %cond3A_72 = arith.constant 0 : i32
      %cond3A_73 = arith.cmpi ne, %convert_element_type3A_71, %cond3A_72 : i32
      scf.if %cond3A_73 {
        %dma_wait3A = arith.constant 0 : i32
        %dma_wait3A_89 = arith.constant 0 : i32
        %dma_wait3A_90 = tpu.memref_slice %arg2[%dma_wait3A, %dma_wait3A_89] : memref<320000x128xf32, #tpu.memory_space<hbm>> -> memref<128x128xf32, #tpu.memory_space<hbm>>
        %dma_wait3A_91 = arith.constant 0 : i32
        %dma_wait3A_92 = arith.constant 0 : i32
        %dma_wait3A_93 = tpu.memref_slice %arg2[%dma_wait3A_91, %dma_wait3A_92] : memref<320000x128xf32, #tpu.memory_space<hbm>> -> memref<128x128xf32, #tpu.memory_space<hbm>>
        tpu.wait_dma2 semaphore(%arg14 : memref<!tpu.dma_semaphore, #tpu.memory_space<semaphore_mem>>) src(%dma_wait3A_93 : memref<128x128xf32, #tpu.memory_space<hbm>>) dst(%arg7 : memref<128x128xf32, #tpu.memory_space<vmem>>)
        %dma_wait3A_94 = arith.constant 0 : i32
        %dma_wait3A_95 = tpu.memref_slice %arg3[%dma_wait3A_94] : memref<320000xi32, #tpu.memory_space<hbm>> -> memref<128xi32, #tpu.memory_space<hbm>>
        %dma_wait3A_96 = arith.constant 0 : i32
        %dma_wait3A_97 = tpu.memref_slice %arg3[%dma_wait3A_96] : memref<320000xi32, #tpu.memory_space<hbm>> -> memref<128xi32, #tpu.memory_space<hbm>>
        tpu.wait_dma2 semaphore(%arg14 : memref<!tpu.dma_semaphore, #tpu.memory_space<semaphore_mem>>) src(%dma_wait3A_97 : memref<128xi32, #tpu.memory_space<hbm>>) dst(%arg10 : memref<128xi32, #tpu.memory_space<vmem>>)
        "tpu.region"() ({
          %run_scoped3A = tpu.sem_alloc : memref<!tpu.dma_semaphore, #tpu.memory_space<semaphore_mem>>
          %dma_start3A_98 = arith.constant 0 : i32
          %dma_start3A_99 = arith.constant 0 : i32
          %dma_start3A_100 = tpu.memref_slice %arg12[%dma_start3A_98, %dma_start3A_99] : memref<10112x128xf32, #tpu.memory_space<vmem_shared>> -> memref<10112x128xf32, #tpu.memory_space<vmem_shared>>
          tpu.enqueue_indirect_dma source(%arg7 : memref<128x128xf32, #tpu.memory_space<vmem>>) target(%dma_start3A_100 : memref<10112x128xf32, #tpu.memory_space<vmem_shared>>) offsets(%arg10 : memref<128xi32, #tpu.memory_space<vmem>>) semaphore(%run_scoped3A : memref<!tpu.dma_semaphore, #tpu.memory_space<semaphore_mem>>) {add = true}
          %dma_wait3A_101 = arith.constant 0 : i32
          %dma_wait3A_102 = arith.constant 0 : i32
          %dma_wait3A_103 = tpu.memref_slice %arg12[%dma_wait3A_101, %dma_wait3A_102] : memref<10112x128xf32, #tpu.memory_space<vmem_shared>> -> memref<10112x128xf32, #tpu.memory_space<vmem_shared>>
          tpu.wait_indirect_dma semaphore(%run_scoped3A : memref<!tpu.dma_semaphore, #tpu.memory_space<semaphore_mem>>) src(%arg7 : memref<128x128xf32, #tpu.memory_space<vmem>>) dst(%dma_wait3A_103 : memref<10112x128xf32, #tpu.memory_space<vmem_shared>>)
          tpu.yield
        }) : () -> ()
      } else {
      }
      %rem3A_74 = arith.constant 3 : i32
      %rem3A_75 = arith.remsi %scan3A_46, %rem3A_74 : i32
      %eq3A_76 = arith.constant 2 : i32
      %eq3A_77 = arith.cmpi eq, %rem3A_75, %eq3A_76 : i32
      %add3A_78 = arith.constant 2 : i32
      %add3A_79 = arith.addi %scan3A_46, %add3A_78 : i32
      %lt3A_80 = arith.constant 78 : i32
      %lt3A_81 = arith.cmpi slt, %add3A_79, %lt3A_80 : i32
      %and3A_82 = arith.andi %eq3A_77, %lt3A_81 : i1
      %convert_element_type3A_83 = arith.extui %and3A_82 : i1 to i32
      %cond3A_84 = arith.constant 0 : i32
      %cond3A_85 = arith.cmpi ne, %convert_element_type3A_83, %cond3A_84 : i32
      scf.if %cond3A_85 {
        %add3A_89 = arith.constant 2 : i32
        %add3A_90 = arith.addi %scan3A_46, %add3A_89 : i32
        %add3A_91 = arith.addi %mul3A_2, %add3A_90 : i32
        %mul3A_92 = arith.constant 128 : i32
        %mul3A_93 = arith.muli %add3A_91, %mul3A_92 : i32
        %dma_start3A_94 = arith.constant 0 : i32
        %dma_start3A_95 = tpu.memref_slice %arg2[%mul3A_93, %dma_start3A_94] : memref<320000x128xf32, #tpu.memory_space<hbm>> -> memref<128x128xf32, #tpu.memory_space<hbm>>
        %dma_start3A_96 = arith.constant 0 : i32
        %dma_start3A_97 = tpu.memref_slice %arg2[%mul3A_93, %dma_start3A_96] : memref<320000x128xf32, #tpu.memory_space<hbm>> -> memref<128x128xf32, #tpu.memory_space<hbm>>
        tpu.enqueue_dma source(%dma_start3A_97 : memref<128x128xf32, #tpu.memory_space<hbm>>) target(%arg7 : memref<128x128xf32, #tpu.memory_space<vmem>>) target_semaphore(%arg14 : memref<!tpu.dma_semaphore, #tpu.memory_space<semaphore_mem>>)
        %add3A_98 = arith.addi %mul3A_2, %add3A_90 : i32
        %mul3A_99 = arith.constant 128 : i32
        %mul3A_100 = arith.muli %add3A_98, %mul3A_99 : i32
        %dma_start3A_101 = tpu.memref_slice %arg3[%mul3A_100] : memref<320000xi32, #tpu.memory_space<hbm>> -> memref<128xi32, #tpu.memory_space<hbm>>
        %dma_start3A_102 = tpu.memref_slice %arg3[%mul3A_100] : memref<320000xi32, #tpu.memory_space<hbm>> -> memref<128xi32, #tpu.memory_space<hbm>>
        tpu.enqueue_dma source(%dma_start3A_102 : memref<128xi32, #tpu.memory_space<hbm>>) target(%arg10 : memref<128xi32, #tpu.memory_space<vmem>>) target_semaphore(%arg14 : memref<!tpu.dma_semaphore, #tpu.memory_space<semaphore_mem>>)
      } else {
      }
      %convert_element_type3A_86 = arith.extui %eq3A_77 : i1 to i32
      %cond3A_87 = arith.constant 0 : i32
      %cond3A_88 = arith.cmpi ne, %convert_element_type3A_86, %cond3A_87 : i32
      scf.if %cond3A_88 {
        %dma_wait3A = arith.constant 0 : i32
        %dma_wait3A_89 = arith.constant 0 : i32
        %dma_wait3A_90 = tpu.memref_slice %arg2[%dma_wait3A, %dma_wait3A_89] : memref<320000x128xf32, #tpu.memory_space<hbm>> -> memref<128x128xf32, #tpu.memory_space<hbm>>
        %dma_wait3A_91 = arith.constant 0 : i32
        %dma_wait3A_92 = arith.constant 0 : i32
        %dma_wait3A_93 = tpu.memref_slice %arg2[%dma_wait3A_91, %dma_wait3A_92] : memref<320000x128xf32, #tpu.memory_space<hbm>> -> memref<128x128xf32, #tpu.memory_space<hbm>>
        tpu.wait_dma2 semaphore(%arg15 : memref<!tpu.dma_semaphore, #tpu.memory_space<semaphore_mem>>) src(%dma_wait3A_93 : memref<128x128xf32, #tpu.memory_space<hbm>>) dst(%arg8 : memref<128x128xf32, #tpu.memory_space<vmem>>)
        %dma_wait3A_94 = arith.constant 0 : i32
        %dma_wait3A_95 = tpu.memref_slice %arg3[%dma_wait3A_94] : memref<320000xi32, #tpu.memory_space<hbm>> -> memref<128xi32, #tpu.memory_space<hbm>>
        %dma_wait3A_96 = arith.constant 0 : i32
        %dma_wait3A_97 = tpu.memref_slice %arg3[%dma_wait3A_96] : memref<320000xi32, #tpu.memory_space<hbm>> -> memref<128xi32, #tpu.memory_space<hbm>>
        tpu.wait_dma2 semaphore(%arg15 : memref<!tpu.dma_semaphore, #tpu.memory_space<semaphore_mem>>) src(%dma_wait3A_97 : memref<128xi32, #tpu.memory_space<hbm>>) dst(%arg11 : memref<128xi32, #tpu.memory_space<vmem>>)
        "tpu.region"() ({
          %run_scoped3A = tpu.sem_alloc : memref<!tpu.dma_semaphore, #tpu.memory_space<semaphore_mem>>
          %dma_start3A_98 = arith.constant 0 : i32
          %dma_start3A_99 = arith.constant 0 : i32
          %dma_start3A_100 = tpu.memref_slice %arg12[%dma_start3A_98, %dma_start3A_99] : memref<10112x128xf32, #tpu.memory_space<vmem_shared>> -> memref<10112x128xf32, #tpu.memory_space<vmem_shared>>
          tpu.enqueue_indirect_dma source(%arg8 : memref<128x128xf32, #tpu.memory_space<vmem>>) target(%dma_start3A_100 : memref<10112x128xf32, #tpu.memory_space<vmem_shared>>) offsets(%arg11 : memref<128xi32, #tpu.memory_space<vmem>>) semaphore(%run_scoped3A : memref<!tpu.dma_semaphore, #tpu.memory_space<semaphore_mem>>) {add = true}
          %dma_wait3A_101 = arith.constant 0 : i32
          %dma_wait3A_102 = arith.constant 0 : i32
          %dma_wait3A_103 = tpu.memref_slice %arg12[%dma_wait3A_101, %dma_wait3A_102] : memref<10112x128xf32, #tpu.memory_space<vmem_shared>> -> memref<10112x128xf32, #tpu.memory_space<vmem_shared>>
          tpu.wait_indirect_dma semaphore(%run_scoped3A : memref<!tpu.dma_semaphore, #tpu.memory_space<semaphore_mem>>) src(%arg8 : memref<128x128xf32, #tpu.memory_space<vmem>>) dst(%dma_wait3A_103 : memref<10112x128xf32, #tpu.memory_space<vmem_shared>>)
          tpu.yield
        }) : () -> ()
      } else {
      }
    }
    %scan3A_38 = arith.constant 78 : i32
    %lt3A = arith.constant 4 : i32
    %lt3A_39 = arith.cmpi slt, %add3A, %lt3A : i32
    %convert_element_type3A = arith.extui %lt3A_39 : i1 to i32
    %cond3A = arith.constant 0 : i32
    %cond3A_40 = arith.cmpi ne, %convert_element_type3A, %cond3A : i32
    scf.if %cond3A_40 {
      %add3A_46 = arith.constant 2496 : i32
      %add3A_47 = arith.addi %add3A_46, %add3A : i32
      %mul3A_48 = arith.constant 128 : i32
      %mul3A_49 = arith.muli %add3A_47, %mul3A_48 : i32
      "tpu.region"() ({
        %run_scoped3A = tpu.sem_alloc : memref<!tpu.dma_semaphore, #tpu.memory_space<semaphore_mem>>
        %dma_start3A_52 = arith.constant 0 : i32
        %dma_start3A_53 = tpu.memref_slice %arg2[%mul3A_49, %dma_start3A_52] : memref<320000x128xf32, #tpu.memory_space<hbm>> -> memref<128x128xf32, #tpu.memory_space<hbm>>
        %dma_start3A_54 = arith.constant 0 : i32
        %dma_start3A_55 = tpu.memref_slice %arg2[%mul3A_49, %dma_start3A_54] : memref<320000x128xf32, #tpu.memory_space<hbm>> -> memref<128x128xf32, #tpu.memory_space<hbm>>
        tpu.enqueue_dma source(%dma_start3A_55 : memref<128x128xf32, #tpu.memory_space<hbm>>) target(%arg6 : memref<128x128xf32, #tpu.memory_space<vmem>>) target_semaphore(%run_scoped3A : memref<!tpu.dma_semaphore, #tpu.memory_space<semaphore_mem>>)
        %dma_wait3A = arith.constant 0 : i32
        %dma_wait3A_56 = tpu.memref_slice %arg2[%mul3A_49, %dma_wait3A] : memref<320000x128xf32, #tpu.memory_space<hbm>> -> memref<128x128xf32, #tpu.memory_space<hbm>>
        %dma_wait3A_57 = arith.constant 0 : i32
        %dma_wait3A_58 = tpu.memref_slice %arg2[%mul3A_49, %dma_wait3A_57] : memref<320000x128xf32, #tpu.memory_space<hbm>> -> memref<128x128xf32, #tpu.memory_space<hbm>>
        tpu.wait_dma2 semaphore(%run_scoped3A : memref<!tpu.dma_semaphore, #tpu.memory_space<semaphore_mem>>) src(%dma_wait3A_58 : memref<128x128xf32, #tpu.memory_space<hbm>>) dst(%arg6 : memref<128x128xf32, #tpu.memory_space<vmem>>)
        tpu.yield
      }) : () -> ()
      %mul3A_50 = arith.constant 128 : i32
      %mul3A_51 = arith.muli %add3A_47, %mul3A_50 : i32
      "tpu.region"() ({
        %run_scoped3A = tpu.sem_alloc : memref<!tpu.dma_semaphore, #tpu.memory_space<semaphore_mem>>
        %dma_start3A_52 = tpu.memref_slice %arg3[%mul3A_51] : memref<320000xi32, #tpu.memory_space<hbm>> -> memref<128xi32, #tpu.memory_space<hbm>>
        %dma_start3A_53 = tpu.memref_slice %arg3[%mul3A_51] : memref<320000xi32, #tpu.memory_space<hbm>> -> memref<128xi32, #tpu.memory_space<hbm>>
        tpu.enqueue_dma source(%dma_start3A_53 : memref<128xi32, #tpu.memory_space<hbm>>) target(%arg9 : memref<128xi32, #tpu.memory_space<vmem>>) target_semaphore(%run_scoped3A : memref<!tpu.dma_semaphore, #tpu.memory_space<semaphore_mem>>)
        %dma_wait3A = tpu.memref_slice %arg3[%mul3A_51] : memref<320000xi32, #tpu.memory_space<hbm>> -> memref<128xi32, #tpu.memory_space<hbm>>
        %dma_wait3A_54 = tpu.memref_slice %arg3[%mul3A_51] : memref<320000xi32, #tpu.memory_space<hbm>> -> memref<128xi32, #tpu.memory_space<hbm>>
        tpu.wait_dma2 semaphore(%run_scoped3A : memref<!tpu.dma_semaphore, #tpu.memory_space<semaphore_mem>>) src(%dma_wait3A_54 : memref<128xi32, #tpu.memory_space<hbm>>) dst(%arg9 : memref<128xi32, #tpu.memory_space<vmem>>)
        tpu.yield
      }) : () -> ()
      "tpu.region"() ({
        %run_scoped3A = tpu.sem_alloc : memref<!tpu.dma_semaphore, #tpu.memory_space<semaphore_mem>>
        %dma_start3A_52 = arith.constant 0 : i32
        %dma_start3A_53 = arith.constant 0 : i32
        %dma_start3A_54 = tpu.memref_slice %arg12[%dma_start3A_52, %dma_start3A_53] : memref<10112x128xf32, #tpu.memory_space<vmem_shared>> -> memref<10112x128xf32, #tpu.memory_space<vmem_shared>>
        tpu.enqueue_indirect_dma source(%arg6 : memref<128x128xf32, #tpu.memory_space<vmem>>) target(%dma_start3A_54 : memref<10112x128xf32, #tpu.memory_space<vmem_shared>>) offsets(%arg9 : memref<128xi32, #tpu.memory_space<vmem>>) semaphore(%run_scoped3A : memref<!tpu.dma_semaphore, #tpu.memory_space<semaphore_mem>>) {add = true}
        %dma_wait3A = arith.constant 0 : i32
        %dma_wait3A_55 = arith.constant 0 : i32
        %dma_wait3A_56 = tpu.memref_slice %arg12[%dma_wait3A, %dma_wait3A_55] : memref<10112x128xf32, #tpu.memory_space<vmem_shared>> -> memref<10112x128xf32, #tpu.memory_space<vmem_shared>>
        tpu.wait_indirect_dma semaphore(%run_scoped3A : memref<!tpu.dma_semaphore, #tpu.memory_space<semaphore_mem>>) src(%arg6 : memref<128x128xf32, #tpu.memory_space<vmem>>) dst(%dma_wait3A_56 : memref<10112x128xf32, #tpu.memory_space<vmem_shared>>)
        tpu.yield
      }) : () -> ()
    } else {
    }
    %barrier3A_41 = arith.constant 0 : index
    tpu.barrier barrier_id(%barrier3A_41)
    %mul3A_42 = arith.constant 632 : i32
    %mul3A_43 = arith.muli %arg1, %mul3A_42 : i32
    %mul3A_44 = arith.constant 632 : i32
    %mul3A_45 = arith.muli %arg1, %mul3A_44 : i32
    "tpu.region"() ({
      %run_scoped3A = tpu.sem_alloc : memref<!tpu.dma_semaphore, #tpu.memory_space<semaphore_mem>>
      %dma_start3A_46 = arith.constant 0 : i32
      %dma_start3A_47 = tpu.memref_slice %arg5[%arg0, %mul3A_45, %dma_start3A_46] : memref<2x10112x128xf32, #tpu.memory_space<hbm>> -> memref<1x632x128xf32, #tpu.memory_space<hbm>>
      %dma_start3A_48 = tpu.memref_squeeze %dma_start3A_47 : memref<1x632x128xf32, #tpu.memory_space<hbm>> -> memref<632x128xf32, #tpu.memory_space<hbm>>
      %dma_start3A_49 = arith.constant 0 : i32
      %dma_start3A_50 = tpu.memref_slice %arg12[%mul3A_43, %dma_start3A_49] : memref<10112x128xf32, #tpu.memory_space<vmem_shared>> -> memref<632x128xf32, #tpu.memory_space<vmem_shared>>
      tpu.enqueue_dma source(%dma_start3A_50 : memref<632x128xf32, #tpu.memory_space<vmem_shared>>) target(%dma_start3A_48 : memref<632x128xf32, #tpu.memory_space<hbm>>) target_semaphore(%run_scoped3A : memref<!tpu.dma_semaphore, #tpu.memory_space<semaphore_mem>>)
      %dma_wait3A = arith.constant 0 : i32
      %dma_wait3A_51 = tpu.memref_slice %arg5[%arg0, %mul3A_45, %dma_wait3A] : memref<2x10112x128xf32, #tpu.memory_space<hbm>> -> memref<1x632x128xf32, #tpu.memory_space<hbm>>
      %dma_wait3A_52 = tpu.memref_squeeze %dma_wait3A_51 : memref<1x632x128xf32, #tpu.memory_space<hbm>> -> memref<632x128xf32, #tpu.memory_space<hbm>>
      %dma_wait3A_53 = arith.constant 0 : i32
      %dma_wait3A_54 = tpu.memref_slice %arg12[%mul3A_43, %dma_wait3A_53] : memref<10112x128xf32, #tpu.memory_space<vmem_shared>> -> memref<632x128xf32, #tpu.memory_space<vmem_shared>>
      tpu.wait_dma2 semaphore(%run_scoped3A : memref<!tpu.dma_semaphore, #tpu.memory_space<semaphore_mem>>) src(%dma_wait3A_54 : memref<632x128xf32, #tpu.memory_space<vmem_shared>>) dst(%dma_wait3A_52 : memref<632x128xf32, #tpu.memory_space<hbm>>)
      tpu.yield
    }) : () -> ()
    return
  }
}

module attributes {stable_mosaic.version = 14 : i64} {
  func.func @_tc_add(%arg0: i32, %arg1: memref<2x2000x128xf32, #tpu.memory_space<vmem>>, %arg2: memref<2000x128xf32, #tpu.memory_space<vmem>>) attributes {dimension_semantics = [#tpu.dimension_semantics<arbitrary>], iteration_bounds = array<i64: 5>, scalar_prefetch = 0 : i64, scratch_operands = 0 : i64, tpu.core_type = #tpu.core_type<tc>, window_params = [{transform_indices = @transform_0, window_bounds = array<i64: 2, 2000, 128>}, {transform_indices = @transform_1, window_bounds = array<i64: 2000, 128>}]} {
    %get3A = arith.constant 0 : index
    %get3A_0 = arith.constant 0 : index
    %get3A_1 = arith.constant 0 : index
    %get3A_2 = vector.load %arg1[%get3A, %get3A_0, %get3A_1] : memref<2x2000x128xf32, #tpu.memory_space<vmem>>, vector<1x2000x128xf32>
    %get3A_3 = vector.shape_cast %get3A_2 : vector<1x2000x128xf32> to vector<2000x128xf32>
    %get3A_4 = arith.constant 1 : index
    %get3A_5 = arith.constant 0 : index
    %get3A_6 = arith.constant 0 : index
    %get3A_7 = vector.load %arg1[%get3A_4, %get3A_5, %get3A_6] : memref<2x2000x128xf32, #tpu.memory_space<vmem>>, vector<1x2000x128xf32>
    %get3A_8 = vector.shape_cast %get3A_7 : vector<1x2000x128xf32> to vector<2000x128xf32>
    %add3A = arith.addf %get3A_3, %get3A_8 : vector<2000x128xf32>
    %swap3A = arith.constant 0 : index
    %swap3A_9 = arith.constant 0 : index
    %swap3A_10 = vector.load %arg2[%swap3A, %swap3A_9] : memref<2000x128xf32, #tpu.memory_space<vmem>>, vector<2000x128xf32>
    tpu.vector_store %arg2[%swap3A, %swap3A_9], %add3A {strides = array<i32>} : memref<2000x128xf32, #tpu.memory_space<vmem>>, vector<2000x128xf32>,
    return
  }
  func.func @transform_0(%arg0: i32) -> (i32, i32, i32) {
    %c0_i32 = arith.constant 0 : i32
    %c0_i32_0 = arith.constant 0 : i32
    %c0_i32_1 = arith.constant 0 : i32
    return %c0_i32, %arg0, %c0_i32_0 : i32, i32, i32
  }
  func.func @transform_1(%arg0: i32) -> (i32, i32) {
    %c0_i32 = arith.constant 0 : i32
    %c0_i32_0 = arith.constant 0 : i32
    return %arg0, %c0_i32 : i32, i32
  }
}

</mosaic_0001>

<sc_bundles>
// kernel: kernel.4.cloned.1.call-start
scs
__scs_entry_jumppad:
0x0: {  	(pc) =	sbr.rel $0x88, $3  }
0x1: {  	(tag) =	ssettag $0x0;
	lr =	simm.s32 $0x1  }
0x2: {  	[smem:$0x3F9F] =	sst lr;
	_ =	strace $0xD0000000  }
0x3: {  	_ = 	snop  }
0x4: {  	_ = 	snop  }
0x5: {  	_ = 	snop  }
0x6: {  	_ = 	snop  }
0x7: {  	_ = 	snop  }
__scs_overlays_trampoline_lowered:
0x8: {  	[smem:$0x3FAE] =	sst s0  }
0x9: {  	[smem:$0x3FAF] =	sst s1  }
0xa: {  	[smem:$0x3FB0] =	sst s2  }
0xb: {  	[smem:$0x3FB1] =	sst s3  }
0xc: {  	[smem:$0x3FB2] =	sst s4  }
0xd: {  	[smem:$0x3FB3] =	sst s5  }
0xe: {  	[smem:$0x3FB4] =	sst s6  }
0xf: {  	[smem:$0x3FB5] =	sst s7  }
0x10: {  	[smem:$0x3FB6] =	sst s8  }
0x11: {  	[smem:$0x3FB7] =	sst s9;
	s0 =	simm.s32 @!p0 $0x0  }
0x12: {  	s1 =	sld [smem:$0x3F9D];
	s0 =	simm.s32 @p0 $0x1  }
0x13: {  	[smem:$0x3FB8] =	sst s0;
	s0 =	simm.s32 @!p1 $0x0  }
0x14: {  	s2 =	sld [smem:$0x3F9C];
	s0 =	simm.s32 @p1 $0x1  }
0x15: {  	[smem:$0x3FB9] =	sst s0;
	s0 =	simm.s32 @!p2 $0x0  }
0x16: {  	s3 =	sld [smem:$0x3FDB];
	s0 =	simm.s32 @p2 $0x1  }
0x17: {  	s4 =	simm.s32 $0x1BF5;
	[smem:$0x3FBB] =	sst s0  }
0x18: {  	s0 =	sld [smem:$0x3F9E];
	_ =	swait.ge [sflag:s4], $0x0  }
0x19: {  	s7 =	sld [smem:$0x3F9F]  }
0x1a: {  	s8 =	sadd.s32 $0xFFFFE003, lr  }
0x1b: {  	s9 =	sadd.s32 $0xFFFFFEF7, lr;
	s5 =	simm.s32 $0xFFFFFFFF;
	p2 =	slt.u32 s8, $0xFFFFF086  }
0x1c: {  	p1 =	slt.u32 s9, $0xF7A;
	s5 =	simm.s32 @!p2 $0x0  }
0x1d: {  	s5 =	simm.s32 @p1 $0x1;
	p0 =	seq.s32 s7, s2  }
0x1e: {  	s7 =	smul.u32 @!p0 $0xF7A, s2;
	p2 =	seq.s32 @!p0 s5, $0x0  }
0x1f: {  	s9 =	smul.u32 $0xF7A, s1;
	s8 =	simm.s32 @!p0 $0x1BF5;
	p2 =	por !p2, p0  }
0x20: {  	[sflag:s8] =	ssyncset.s32 @!p0 $0xFFFFF086;
	s6 =	sadd.s32 @!p0 s3, s7;
	s7 =	simm.s32 @!p0 $0x108  }
0x21: {  	s3 =	sadd.s32 s3, s9;
	s6 =	sadd.s32 @!p0 $0x88, s6;
	s7 =	simm.s32 @p2 $0x1082  }
0x22: {  	[simem:s7], [sflag:s8] =	dma.local @!p0 [hbm:s6], $0xF7A  }
0x23: {  	s9 =	sor.u32 $0xD0000000, s2;
	s6 =	simm.s32 $0x108;
	_ =	swait.ge @!p0 [sflag:s8], $0x0  }
0x24: {  	s3 =	sadd.s32 $0x88, s3;
	s6 =	simm.s32 @!p1 $0x1082;
	[sflag:s4] =	ssyncset.s32 $0xFFFFF086  }
0x25: {  	[simem:s6], [sflag:s4] =	dma.local [hbm:s3], $0xF7A  }
0x26: {  	[smem:$0x3F9F] =	sst s1;
	(tag) =	ssettag s2;
	_ =	strace s9  }
0x27: {  	s1 =	sld [smem:$0x3FAF]  }
0x28: {  	s2 =	sld [smem:$0x3FB0]  }
0x29: {  	s4 =	sld [smem:$0x3FB2]  }
0x2a: {  	p0 =	seq.s32 s5, $0x0;
	s5 =	sld [smem:$0x3FB3]  }
0x2b: {  	s6 =	sld [smem:$0x3FB4]  }
0x2c: {  	s7 =	sld [smem:$0x3FB5]  }
0x2d: {  	s3 =	simm.s32 $0x108;
	s8 =	sld [smem:$0x3FB6]  }
0x2e: {  	s3 =	simm.s32 @!p0 $0x1082;
	s9 =	sld [smem:$0x3FB7]  }
0x2f: {  	lr =	sadd.s32 s0, s3;
	s0 =	sld [smem:$0x3FAE]  }
0x30: {  	s3 =	sld [smem:$0x3FB1]  }
0x31: {  	[smem:$0x3FBA] =	sst s10  }
0x32: {  	s10 =	sld [smem:$0x3FB8];
	_ =	sdelay $0x3  }
0x33: {  	p0 =	seq.s32 s10, $0x1;
	s10 =	sld [smem:$0x3FBA];
	_ =	sdelay $0x3  }
0x34: {  	[smem:$0x3FBA] =	sst s10  }
0x35: {  	s10 =	sld [smem:$0x3FB9];
	_ =	sdelay $0x3  }
0x36: {  	p1 =	seq.s32 s10, $0x1;
	s10 =	sld [smem:$0x3FBA];
	_ =	sdelay $0x3  }
0x37: {  	[smem:$0x3FBA] =	sst s10  }
0x38: {  	s10 =	sld [smem:$0x3FBB]  }
0x39: {  	_ = 	snop;
	(pc) =	sbr.ind lr, $3  }
0x3a: {  	_ = 	snop  }
0x3b: {  	_ = 	snop  }
0x3c: {  	p2 =	seq.s32 s10, $0x1;
	s10 =	sld [smem:$0x3FBA]  }
0x3d: {  	_ =	shalt  }
0x3e: {  	_ =	shalt  }
0x3f: {  	_ =	shalt  }
0x40: {  	_ =	shalt  }
0x41: {  	_ =	shalt  }
0x42: {  	_ =	shalt  }
0x43: {  	_ =	shalt  }
0x44: {  	_ =	shalt  }
0x45: {  	_ =	shalt  }
0x46: {  	_ =	shalt  }
0x47: {  	_ =	shalt  }
0x48: {  	_ =	shalt  }
0x49: {  	_ =	shalt  }
0x4a: {  	_ =	shalt  }
0x4b: {  	_ =	shalt  }
0x4c: {  	_ =	shalt  }
0x4d: {  	_ =	shalt  }
0x4e: {  	_ =	shalt  }
0x4f: {  	_ =	shalt  }
0x50: {  	_ =	shalt  }
0x51: {  	_ =	shalt  }
0x52: {  	_ =	shalt  }
0x53: {  	_ =	shalt  }
0x54: {  	_ =	shalt  }
0x55: {  	_ =	shalt  }
0x56: {  	_ =	shalt  }
0x57: {  	_ =	shalt  }
0x58: {  	_ =	shalt  }
0x59: {  	_ =	shalt  }
0x5a: {  	_ =	shalt  }
0x5b: {  	_ =	shalt  }
0x5c: {  	_ =	shalt  }
0x5d: {  	_ =	shalt  }
0x5e: {  	_ =	shalt  }
0x5f: {  	_ =	shalt  }
0x60: {  	_ =	shalt  }
0x61: {  	_ =	shalt  }
0x62: {  	_ =	shalt  }
0x63: {  	_ =	shalt  }
0x64: {  	_ =	shalt  }
0x65: {  	_ =	shalt  }
0x66: {  	_ =	shalt  }
0x67: {  	_ =	shalt  }
0x68: {  	_ =	shalt  }
0x69: {  	_ =	shalt  }
0x6a: {  	_ =	shalt  }
0x6b: {  	_ =	shalt  }
0x6c: {  	_ =	shalt  }
0x6d: {  	_ =	shalt  }
0x6e: {  	_ =	shalt  }
0x6f: {  	_ =	shalt  }
0x70: {  	_ =	shalt  }
0x71: {  	_ =	shalt  }
0x72: {  	_ =	shalt  }
0x73: {  	_ =	shalt  }
0x74: {  	_ =	shalt  }
0x75: {  	_ =	shalt  }
0x76: {  	_ =	shalt  }
0x77: {  	_ =	shalt  }
0x78: {  	_ =	shalt  }
0x79: {  	_ =	shalt  }
0x7a: {  	_ =	shalt  }
0x7b: {  	_ =	shalt  }
0x7c: {  	_ =	shalt  }
0x7d: {  	_ =	shalt  }
0x7e: {  	_ =	shalt  }
0x7f: {  	_ =	shalt  }
0x80: {  	_ =	shalt  }
0x81: {  	_ =	shalt  }
0x82: {  	_ =	shalt  }
0x83: {  	_ =	shalt  }
0x84: {  	_ =	shalt  }
0x85: {  	_ =	shalt  }
0x86: {  	_ =	shalt  }
0x87: {  	_ =	shalt  }
.Lfunc_end0:
.L_simem_size_0:
called_computation_lowered:
.L_overlay_start_0:
0x88: {  	s2 =	sld [smem:$0x3FD9]  }
0x89: {  	s3 =	sld [smem:$0x3FFE];
	_ =	sdelay $0x1  }
0x8a: {  	s1 =	srdreg.scid  }
0x8b: {  	s0 =	sand.u32 $0x1, s1  }
0x8c: {  	s17 =	sshll.u32 s0, $0xA;
	s2 =	sadd.s32 s3, s2  }
0x8d: {  	s2 =	sadd.s32 s2, s17  }
0x8e: {  	[smem:$0x3FC6] =	sst s2  }
0x8f: {  	_ = 	snop  }
0x90: {  	s2 =	sld [smem:$0x3FC9]  }
0x91: {  	s18 =	sld [smem:$0x3FC8];
	(tm) =	ssettm $0x1  }
0x92: {  	s4 =	sld [smem:$0x3FFB];
	_ =	sdelay $0x3  }
0x93: {  	_ =	strace s4  }
0x94: {  	s4 =	sld [smem:$0x3FFC];
	_ =	sdelay $0x3  }
0x95: {  	_ =	strace s4  }
0x96: {  	s4 =	sld [smem:$0x3FFD];
	_ =	sdelay $0x3  }
0x97: {  	_ =	strace s4  }
0x98: {  	_ =	strace $0x8FFFFFFF  }
0x99: {  	s19 =	sld [smem:$0x3FDB];
	_ =	sdelay $0x1  }
0x9a: {  	s5 =	simm.s32 $_scs_section_size  }
0x9b: {  	s6 =	simm.s32 $_size__tile_overlayer_lowered;
	s7 =	simm.s32 $_tile_overlayer_lowered  }
0x9c: {  	s22 =	simm.s32 $0x1BFF;
	s21 =	sshll.u32 s7, $0x1;
	s4 =	sadd.s32 s5, s19  }
0x9d: {  	s8 =	simm.s32 $0x0;
	s20 =	sshll.u32 s6, $0x1;
	s6 =	sadd.s32 s21, s4  }
0x9e: {  	[timem:s8], [sflag:s22] =	dma.local [hbm:s6], s20  }
0x9f: {  	_ =	swait.ge [sflag:s22], s20  }
0xa0: {  	s5 =	ssub.s32 $0x0, s20;
	[sflag:s22] =	ssyncset.done $0x0  }
0xa1: {  	[sflag:s22] =	ssyncadd.s32 s5;
	_ =	sdelay $0x1  }
0xa2: {  	s23 =	simm.s32 $0x1B8B  }
0xa3: {  	_ =	swait.ge [sflag:s23], $0x1  }
0xa4: {  	[sflag:s23] =	ssyncset.done $0x0  }
0xa5: {  	s25 =	simm.s32 $0x1B8E;
	s24 =	sld [smem:$0x3FFE];
	[sflag:s23] =	ssyncadd.s32 $0xFFFFFFFF  }
0xa6: {  	s26 =	simm.s32 $execute0_lowered;
	[smem:$0x3FD2] =	sst s25  }
0xa7: {  	s6 =	sshll.u32 s26, $0x1;
	_ =	strace $0x80000046;
	[dreg:$0x1] =	wrdreg $0xFFFFFFFF  }
0xa8: {  	s28 =	simm.s32 $_size_execute0_lowered;
	s4 =	sadd.s32 s4, s6;
	[dreg:$0x0] =	wrdreg $0x0  }
0xa9: {  	s6 =	sshll.u32 s28, $0x1;
	[dreg:$0x2] =	wrdreg s4  }
0xaa: {  	[dreg:$0x3] =	wrdreg s6  }
0xab: {  	[dreg:$0x4] =	wrdreg $0xC0  }
0xac: {  	_ =	task [dreg:s8], $0x5FFFF  }
0xad: {  	[dreg:$0x1] =	wrdreg $0xFFFFFFFF  }
0xae: {  	[dreg:$0x0] =	wrdreg $0x60  }
0xaf: {  	[dreg:$0x2] =	wrdreg s2  }
0xb0: {  	[dreg:$0x3] =	wrdreg s18  }
0xb1: {  	[dreg:$0x4] =	wrdreg s24  }
0xb2: {  	[dreg:$0x5] =	wrdreg $0xC1800  }
0xb3: {  	[dreg:$0x6] =	wrdreg $0x9  }
0xb4: {  	_ =	task.clear_ibuf [dreg:s8], $0x7FFFF;
	_ =	strace $0x90000046  }
0xb5: {  	s29 =	simm.s32 $0x9;
	_ =	strace $0x80000048  }
0xb6: {  	_ =	swait.ge [sflag:s29], $0x1  }
0xb7: {  	[sflag:s29] =	ssyncadd.s32 $0xFFFFFFFF  }
0xb8: {  	_ =	strace $0x90000048  }
0xb9: {  	_ =	sfence  }
0xba: {  	s30 =	sld [smem:$0x0];
	_ =	sdelay $0x2  }
0xbb: {  	s31 =	sshll.u32 s1, $0xD;
	s1 =	sshrl.u32 s1, $0x2  }
0xbc: {  	s3 =	sand.u32 $0x4000, s31;
	s1 =	sadd.s32 s1, s30  }
0xbd: {  	s0 =	sor.u32 s3, s0;
	s1 =	sshll.u32 s1, $0x11  }
0xbe: {  	s0 =	sor.u32 s1, s0  }
0xbf: {  	s0 =	sadd.s32 $0x8F2B, s0  }
0xc0: {  	[sflag:s0] =	ssyncadd.remote.s32 $0x1  }
0xc1: {  	_ =	sfence.sel $0xFFFF  }
0xc2: {  	[dreg:$0x0] =	wrdreg $0xFFFFFFFF;
	(pc) =	sbr.abs _section_cstart, $3  }
0xc3: {  	[dreg:$0x1] =	wrdreg $0xFFFFFFFF  }
0xc4: {  	_ =	task.clear_ibuf [dreg:s8], $0x2FFFF;
	_ =	strace $0x9FFFFFFF  }
0xc5: {  	(tm) =	ssettm $0x7FFFFFFF  }
tec
execute0_lowered:
.L_overlay_start_1:
0x0: {  	(tag) =	ssettag $0x1  }
0x1: {  	s0 =	rddreg [dreg:$0x0]  }
0x2: {  	s1 =	rddreg [dreg:$0x1]  }
0x3: {  	s4 =	rddreg [dreg:$0x2]  }
0x4: {  	s2 =	rddreg [dreg:$0x3]  }
0x5: {  	s15 =	stileid.u32;
	s5 =	srdreg.scid  }
0x6: {  	s3 =	simm.s32 $0x0;
	s28 =	simm.s32 $0x0;
	s6 =	smul.u32 $0x13C00, s15  }
0x7: {  	s9 =	sand.u32 $0x1, s5;
	[smem:$0x7FF] =	sst s3;
	s19 =	smul.u32 $0x4F000, s15  }
0x8: {  	s23 =	sshll.u32 s15, $0x7;
	s24 =	smul.u32 $0x4E, s15;
	s26 =	sshll.u32 s15, $0x6  }
0x9: {  	s5 =	sshll.u32 s9, $0x4;
	s8 =	smul.u32 $0x13C000, s9;
	_ =	strace $0x80000047  }
0xa: {  	s17 =	ssub.s32 $0x2, s9;
	s29 =	smul.u32 $0x4E0, s9;
	s9 =	sor.u32 $0x1C04, s26  }
0xb: {  	s26 =	simm.s32 $0x3;
	s7 =	sshrl.u32 s6, $0x3;
	s25 =	sor.u32 s15, s5  }
0xc: {  	s11 =	sshrl.u32 s17, $0x1;
	s22 =	sshrl.u32 s19, $0x2;
	s5 =	smul.u32 $0x27000, s25  }
0xd: {  	s10 =	sadd.s32 s7, s4;
	s6 =	sadd.s32 s6, s8;
	s18 =	smul.u32 $0x4E0, s25  }
0xe: {  	s12 =	smul.u32 $0x2700, s25;
	s14 =	ssub.s32 s17, s11;
	s19 =	sadd.s32 s22, s2  }
0xf: {  	s15 =	sadd.s32 s24, s29;
	s17 =	simm.s32 $0x4000;
	s22 =	simm.s32 $0xC100  }
0x10: {  	s24 =	simm.s32 $0x80;
	p0 =	sgt.u32 s25, $0x3;
	s25 =	simm.s32 $0x2  }
0x11: {  	s6 =	sshrl.u32 s6, $0x3;
	s8 =	sadd.s32 $0x600, s10;
	s10 =	sor.u32 $0x4E000, s23  }
0x12: {  	s31 =	sshll.u32 s15, $0x4;
	s15 =	sshll.u32 s15, $0xB;
	s19 =	sshrl.u32 s19, $0x3  }
0x13: {  	s23 =	simm.s32 $0x1;
	s13 =	sadd.s32 s6, s4;
	s4 =	sadd.s32 s0, s5  }
0x14: {  	s5 =	sadd.s32 s1, s18;
	s20 =	sor.u32 $0x80, s12;
	s30 =	sshll.u32 s10, $0x4  }
0x15: {  	s16 =	sshrl.u32 s10, $0x3;
	s18 =	simm.s32 $0xC080;
	s21 =	sshll.u32 s20, $0x4  }
.Ltmp0:
0x16: {  	s7 =	sshrl.u32 s20, $0x3;
	s10 =	sadd.s32 s0, s30;
	(pc) =	sbr.rel .LBB2_1-.Ltmp0, $4  }
0x17: {  	s11 =	sadd.s32 s1, s16;
	s12 =	sadd.s32 $0x27E00, s13;
	s13 =	smax.u32 s14, $0x1  }
0x18: {  	s16 =	simm.s32 $0xC000;
	s20 =	simm.s32 $0x4;
	s6 =	sadd.s32 s0, s21  }
0x19: {  	s7 =	sadd.s32 s1, s7;
	s1 =	sadd.s32 s1, s31;
	s0 =	sadd.s32 s0, s15  }
0x1a: {  	s21 =	simm.s32 $0x8000;
	s14 =	sadd.s32 $0x20, s1;
	s15 =	sadd.s32 $0x1000, s0  }
.LBB2_12:
0x1b: {  	s0 =	simm.s32 @!p0 $0x0;
	s1 =	simm.s32 @!p0 $0x4  }
0x1c: {  	[tilespmem:s0], [sflag:$0x4] =	stream.linear.gather @!p0 [hbm4b:s10+s0], $0x4000, $0x38;
	[tilespmem:$0x1FD80] =	vst v63  }
0x1d: {  	_ =	swait.ge @!p0 [sflag:s1], $0x4000  }
0x1e: {  	[sflag:s1] =	ssyncset.done @!p0 $0x0  }
0x1f: {  	s29 =	simm.s32 @!p0 $0xC000;
	[sflag:s1] =	ssyncadd.s32 @!p0 $0xFFFFC000  }
0x20: {  	[tilespmem:s29], [sflag:$0x4] =	stream.linear.gather @!p0 [hbm4b:s11+s0], $0x80, $0x38;
	[tilespmem:$0x1FD80] =	vst v63  }
0x21: {  	_ =	swait.ge @!p0 [sflag:s1], $0x80  }
0x22: {  	[sflag:s1] =	ssyncset.done @!p0 $0x0  }
0x23: {  	s30 =	simm.s32 @!p0 $0x80;
	[sflag:s1] =	ssyncadd.s32 @!p0 $0xFFFFFF80  }
0x24: {  	[spmem:s2] =	stream.indirect.scatter.add.f32 @!p0 [tilespmem:s0], [sflag:$0x4], $0x80, s29, s30, $0xb8;
	[tilespmem:$0x1FD80] =	vst v63  }
0x25: {  	_ =	swait.ge @!p0 [sflag:s1], $0x4000  }
0x26: {  	s28 =	sadd.s32 $0x1, s28;
	[sflag:s1] =	ssyncset.done @!p0 $0x0  }
0x27: {  	p1 =	sne.s32 s28, s13;
	[sflag:s1] =	ssyncadd.s32 @!p0 $0xFFFFC000  }
.Ltmp1:
0x28: {  	[bflag:$0x0] =	sbarrier.arrive $0xFFFF;
	(pc) =	sbr.rel @!p1 .LBB2_13-.Ltmp1, $4  }
0x29: {  	[hbm:s12], [sflag:s9] =	dma.local [spmem:s19], $0x2780  }
0x2a: {  	_ =	swait.ge [sflag:s20], $0x2780  }
0x2b: {  	[sflag:s20] =	ssyncset.done $0x0  }
0x2c: {  	[sflag:s20] =	ssyncadd.s32 $0xFFFFD880  }
.LBB2_1:
0x2d: {  	[tilespmem:s3], [sflag:$0x1] =	stream.linear.gather [hbm4b:s4+s3], $0x4000, $0x38;
	[tilespmem:$0x1FD80] =	vst v63  }
0x2e: {  	_ = 	snop  }
0x2f: {  	[tilespmem:s16], [sflag:$0x1] =	stream.linear.gather [hbm4b:s5+s3], $0x80, $0x38;
	[tilespmem:$0x1FD80] =	vst v63  }
0x30: {  	_ = 	snop  }
0x31: {  	[tilespmem:s17], [sflag:$0x2] =	stream.linear.gather [hbm4b:s6+s3], $0x4000, $0x38;
	[tilespmem:$0x1FD80] =	vst v63  }
0x32: {  	_ = 	snop  }
0x33: {  	[tilespmem:s18], [sflag:$0x2] =	stream.linear.gather [hbm4b:s7+s3], $0x80, $0x38;
	[tilespmem:$0x1FD80] =	vst v63  }
0x34: {  	[spmem:s19], [sflag:s9] =	dma.local [hbm:s8], $0x2780  }
.Ltmp2:
0x35: {  	_ =	swait.ge [sflag:s20], $0x2780;
	(pc) =	sbr.rel .LBB2_2-.Ltmp2, $4  }
0x36: {  	[sflag:s20] =	ssyncset.done $0x0  }
0x37: {  	[sflag:s20] =	ssyncadd.s32 $0xFFFFD880  }
0x38: {  	[bflag:$0x0] =	sbarrier.arrive $0xFFFF  }
0x39: {  	s29 =	smov.u32 s15;
	s30 =	smov.u32 s14;
	s31 =	simm.s32 $0x0  }
.LBB2_3:
0x3a: {  	[tilespmem:s21], [sflag:$0x3] =	stream.linear.gather [hbm4b:s29+s3], $0x4000, $0x38;
	[tilespmem:$0x1FD80] =	vst v63  }
0x3b: {  	_ = 	snop  }
0x3c: {  	[tilespmem:s22], [sflag:$0x3] =	stream.linear.gather [hbm4b:s30+s3], $0x80, $0x38;
	[tilespmem:$0x1FD80] =	vst v63  }
.LBB2_4:
0x3d: {  	_ =	swait.ge [sflag:s23], $0x4000  }
0x3e: {  	[sflag:s23] =	ssyncset.done $0x0  }
0x3f: {  	[sflag:s23] =	ssyncadd.s32 $0xFFFFC000  }
0x40: {  	_ =	swait.ge [sflag:s23], $0x80  }
0x41: {  	[sflag:s23] =	ssyncset.done $0x0  }
0x42: {  	s0 =	simm.s32 $0x5;
	[sflag:s23] =	ssyncadd.s32 $0xFFFFFF80  }
0x43: {  	[spmem:s2] =	stream.indirect.scatter.add.f32 [tilespmem:s3], [sflag:$0x5], $0x80, s16, s24, $0xb8;
	[tilespmem:$0x1FD80] =	vst v63  }
.LBB2_11:
0x44: {  	s31 =	sadd.s32 $0x1, s31  }
0x45: {  	p1 =	sne.s32 s31, $0x4E  }
.Ltmp3:
0x46: {  	_ = 	snop;
	(pc) =	sbr.rel @!p1 .LBB2_12-.Ltmp3, $4  }
0x47: {  	_ = 	snop  }
0x48: {  	_ =	swait.ge [sflag:s0], $0x4000  }
0x49: {  	[sflag:s0] =	ssyncset.done $0x0  }
0x4a: {  	s30 =	sadd.s32 $0x10, s30;
	s29 =	sadd.s32 $0x800, s29;
	[sflag:s0] =	ssyncadd.s32 $0xFFFFC000  }
.LBB2_2:
0x4b: {  	s0 =	smul.u32 $0xAB, s31;
	_ =	sdelay $0x1  }
0x4c: {  	s0 =	sshrl.u32 s0, $0x9  }
0x4d: {  	s0 =	sand.u32 $0x7F, s0  }
0x4e: {  	s0 =	smul.u32 $0x3, s0;
	_ =	sdelay $0x1  }
0x4f: {  	p1 =	sgt.u32 s31, $0x4B;
	s1 =	ssub.s32 s31, s0  }
0x50: {  	s0 =	sand.u32 @!p1 $0xFF, s1  }
0x51: {  	p2 =	sne.s32 @!p1 s0, $0x0  }
0x52: {  	p2 =	por p1, p2  }
.Ltmp4:
0x53: {  	_ = 	snop;
	(pc) =	sbr.rel @!p2 .LBB2_3-.Ltmp4, $1  }
0x54: {  	_ =	sdelay $0x3  }
0x55: {  	s1 =	sand.u32 $0xFF, s1  }
0x56: {  	p2 =	seq.s32 s1, $0x0  }
.Ltmp5:
0x57: {  	_ = 	snop;
	(pc) =	sbr.rel @p2 .LBB2_4-.Ltmp5, $1  }
0x58: {  	_ =	sdelay $0x3  }
0x59: {  	p2 =	sne.s32 @!p1 s0, $0x1  }
0x5a: {  	p2 =	por p1, p2  }
.Ltmp6:
0x5b: {  	_ = 	snop;
	(pc) =	sbr.rel @p2 .LBB2_8-.Ltmp6, $1  }
0x5c: {  	_ =	sdelay $0x3  }
0x5d: {  	[tilespmem:s3], [sflag:$0x1] =	stream.linear.gather [hbm4b:s29+s3], $0x4000, $0x38;
	[tilespmem:$0x1FD80] =	vst v63  }
0x5e: {  	_ = 	snop  }
0x5f: {  	[tilespmem:s16], [sflag:$0x1] =	stream.linear.gather [hbm4b:s30+s3], $0x80, $0x38;
	[tilespmem:$0x1FD80] =	vst v63  }
.LBB2_9:
0x60: {  	_ =	swait.ge [sflag:s25], $0x4000  }
0x61: {  	[sflag:s25] =	ssyncset.done $0x0  }
.Ltmp7:
0x62: {  	[sflag:s25] =	ssyncadd.s32 $0xFFFFC000;
	(pc) =	sbr.rel .LBB2_11-.Ltmp7, $4  }
0x63: {  	_ =	swait.ge [sflag:s25], $0x80  }
0x64: {  	[sflag:s25] =	ssyncset.done $0x0  }
0x65: {  	s0 =	simm.s32 $0x5;
	[sflag:s25] =	ssyncadd.s32 $0xFFFFFF80  }
0x66: {  	[spmem:s2] =	stream.indirect.scatter.add.f32 [tilespmem:s17], [sflag:$0x5], $0x80, s18, s24, $0xb8;
	[tilespmem:$0x1FD80] =	vst v63  }
.LBB2_8:
0x67: {  	p2 =	sne.s32 s1, $0x1  }
.Ltmp8:
0x68: {  	_ = 	snop;
	(pc) =	sbr.rel @!p2 .LBB2_9-.Ltmp8, $1  }
0x69: {  	_ =	sdelay $0x3  }
0x6a: {  	s0 =	simm.s32 @!p1 $0x0;
	s1 =	simm.s32 @!p1 $0x4000  }
0x6b: {  	[tilespmem:s1], [sflag:$0x2] =	stream.linear.gather @!p1 [hbm4b:s29+s0], $0x4000, $0x38;
	[tilespmem:$0x1FD80] =	vst v63  }
0x6c: {  	s1 =	simm.s32 @!p1 $0xC080  }
0x6d: {  	[tilespmem:s1], [sflag:$0x2] =	stream.linear.gather @!p1 [hbm4b:s30+s0], $0x80, $0x38;
	[tilespmem:$0x1FD80] =	vst v63  }
0x6e: {  	_ =	swait.ge [sflag:s26], $0x4000  }
0x6f: {  	[sflag:s26] =	ssyncset.done $0x0  }
.Ltmp9:
0x70: {  	[sflag:s26] =	ssyncadd.s32 $0xFFFFC000;
	(pc) =	sbr.rel .LBB2_11-.Ltmp9, $4  }
0x71: {  	_ =	swait.ge [sflag:s26], $0x80  }
0x72: {  	[sflag:s26] =	ssyncset.done $0x0  }
0x73: {  	s0 =	simm.s32 $0x4;
	[sflag:s26] =	ssyncadd.s32 $0xFFFFFF80  }
0x74: {  	[spmem:s2] =	stream.indirect.scatter.add.f32 [tilespmem:s21], [sflag:$0x4], $0x80, s22, s24, $0xb8;
	[tilespmem:$0x1FD80] =	vst v63  }
.LBB2_13:
0x75: {  	_ =	sfence.sel $0x180000  }
0x76: {  	[bflag:$0x0] =	sbarrier.arrive $0xFFFF  }
0x77: {  	_ =	strace $0x90000047  }
0x78: {  	s0 =	stileid.u32;
	[bflag:$0x2] =	sbarrier.arrive $0xFFFF  }
0x79: {  	p0 =	sne.s32 s0, $0x0;
	s0 =	rddreg [dreg:$0x4]  }
0x7a: {  	s0 =	sadd.s32 @!p0 $0x100000, s0  }
0x7b: {  	[sflag:s0] =	ssyncadd.tile.s32 @!p0 $0x1;
	_ =	shalt  }
.Lfunc_end2:
_tile_overlayer_lowered:
.L_overlay_start_2:
0x7c: {  	(tag) =	ssettag $0x2  }
0x7d: {  	s0 =	rddreg [dreg:$0x0];
	s2 =	stileid.u32  }
0x7e: {  	s1 =	rddreg [dreg:$0x1];
	p0 =	sne.s32 s2, $0x0  }
0x7f: {  	s3 =	rddreg [dreg:$0x2];
	[bflag:$0x3] =	sbarrier.arrive $0xFFFF;
	s2 =	simm.s32 @!p0 $0x1C04  }
0x80: {  	[timem:s3], [sflag:s2] =	dma.local @!p0 [hbm:s0], s1  }
0x81: {  	s0 =	simm.s32 @!p0 $0x4  }
0x82: {  	_ =	swait.ge @!p0 [sflag:s0], s1  }
0x83: {  	s1 =	ssub.s32 @!p0 $0x0, s1;
	[sflag:s0] =	ssyncset.done @!p0 $0x0  }
0x84: {  	[sflag:s0] =	ssyncadd.s32 @!p0 s1  }
0x85: {  	[bflag:$0x3] =	sbarrier.arrive $0xFFFF  }
0x86: {  	_ =	shalt  }

</sc_bundles>
